<compile_context>
chip_gen: v7x
topology: tpu7x:2x2x1
jax: 0.10.2.dev20260603
libtpu: 0.0.44.dev20260713+nightly
codegen_flags: <defaults>
</compile_context>

<pallas_src>
import functools

import jax
import jax.numpy as jnp
from jax import lax
from jax.experimental import pallas as pl
from jax.experimental.pallas import tpu as pltpu
from jax.experimental.pallas import tpu_sc as plsc

B = 16384
D = 32
F = 2 * D
NC = 2
NS = 16
NW = NC * NS
BPW = B // NW
CH = 128
NCH = BPW // CH
NV = 1000000 * D


def _sc_gather_body(gidx_hbm, uflat_hbm, iflat_hbm, x_out, idxbuf, xbuf, sem):
    wid = lax.axis_index("s") * NC + lax.axis_index("c")
    base = wid * BPW
    pltpu.sync_copy(gidx_hbm.at[pl.ds(wid * (F * BPW), F * BPW)], idxbuf)

    def make_body(src):
        def f_body(f, carry):
            for j in range(NCH):
                pltpu.async_copy(
                    src.at[idxbuf.at[pl.ds(f * BPW + j * CH, CH)]],
                    xbuf.at[f, pl.ds(j * CH, CH)], sem)
            return carry
        return f_body

    lax.fori_loop(0, D, make_body(uflat_hbm), 0)
    lax.fori_loop(D, F, make_body(iflat_hbm), 0)
    pltpu.make_async_copy(x_out.at[:, pl.ds(base, BPW)], xbuf, sem).wait()
    pltpu.sync_copy(xbuf, x_out.at[:, pl.ds(base, BPW)])


_sc_gather = functools.partial(
    pl.kernel,
    out_type=jax.ShapeDtypeStruct((F, B), jnp.float32),
    mesh=plsc.VectorSubcoreMesh(core_axis_name="c", subcore_axis_name="s",
                                num_cores=NC, num_subcores=NS),
    scratch_types=[
        pltpu.VMEM((F * BPW,), jnp.int32),
        pltpu.VMEM((F, BPW), jnp.float32),
        pltpu.SemaphoreType.DMA,
    ],
    compiler_params=pltpu.CompilerParams(use_tc_tiling_on_sc=False),
)(_sc_gather_body)


BLK = 2048


def _mlp_body(x_ref, w1_ref, b1_ref, w2_ref, b2_ref, w3_ref, b3_ref, o_ref):
    h = jnp.dot(w1_ref[...], x_ref[...], preferred_element_type=jnp.float32)
    h = jnp.maximum(h + b1_ref[...], 0.0)
    h = jnp.dot(w2_ref[...], h, preferred_element_type=jnp.float32)
    h = jnp.maximum(h + b2_ref[...], 0.0)
    y = jnp.dot(w3_ref[...], h, preferred_element_type=jnp.float32)
    o_ref[...] = y[0] + b3_ref[0, 0]


def _mlp(xT, W1, b1c, W2, b2c, W3, b3c):
    grid = (B // BLK,)
    full = lambda shape: pl.BlockSpec(shape, lambda i: (0, 0))
    return pl.pallas_call(
        _mlp_body,
        grid=grid,
        in_specs=[
            pl.BlockSpec((F, BLK), lambda i: (0, i)),
            full((F, F)),
            full((F, 1)),
            full((D, F)),
            full((D, 1)),
            full((1, D)),
            full((1, 1)),
        ],
        out_specs=pl.BlockSpec((BLK,), lambda i: (i,)),
        out_shape=jax.ShapeDtypeStruct((B,), jnp.float32),
    )(xT, W1, b1c, W2, b2c, W3, b3c)


def kernel(user_idx, item_idx, user_table, item_table, W1, b1, W2, b2, W3, b3):
    ui = user_idx.astype(jnp.int32)
    ii = item_idx.astype(jnp.int32)
    uflat = user_table.T.reshape(NV)
    iflat = item_table.T.reshape(NV)
    feat = jnp.arange(D, dtype=jnp.int32)[:, None] * 1000000
    gu = ui[None, :] + feat
    gi = ii[None, :] + feat
    g = jnp.concatenate([gu, gi], axis=0)
    g3 = g.reshape(F, NW, BPW).transpose(1, 0, 2).reshape(-1)
    xT = _sc_gather(g3, uflat, iflat)
    out = _mlp(xT, W1, b1.reshape(F, 1), W2, b2.reshape(D, 1),
               W3, b3.reshape(1, 1))
    return out

# --- scband reference (transcript-rebuilt; emitter-appended) ---
"""Pipeline reference for scband-ncfmodel-36017595744597 (READ-ONLY COPY).

The authoritative reference and input builder live on the scoring server;
editing this copy changes nothing except your own understanding.
"""

import jax, jax.numpy as jnp
import numpy as np

NUM_USERS = 1000000
NUM_ITEMS = 1000000
EMB_DIM = 32
BATCH = 16384


def setup_inputs(seed: int = 0) -> dict:
    key = jax.random.key(seed)
    ks = jax.random.split(key, 10)
    user_idx = jax.random.randint(ks[0], (BATCH,), 0, NUM_USERS, dtype=jnp.int64 if jax.config.jax_enable_x64 else jnp.int32)
    item_idx = jax.random.randint(ks[1], (BATCH,), 0, NUM_ITEMS, dtype=jnp.int64 if jax.config.jax_enable_x64 else jnp.int32)
    user_table = jax.random.normal(ks[2], (NUM_USERS, EMB_DIM), dtype=jnp.float32) * 0.05
    item_table = jax.random.normal(ks[3], (NUM_ITEMS, EMB_DIM), dtype=jnp.float32) * 0.05
    # hidden_dims = [2*emb_dim, emb_dim] = [64, 32]; input_dim starts at 2*emb_dim = 64
    W1 = jax.random.normal(ks[4], (64, 64), dtype=jnp.float32) * 0.05  # Linear(64 -> 64), torch layout [out, in]
    b1 = jnp.zeros((64,), dtype=jnp.float32)
    W2 = jax.random.normal(ks[5], (32, 64), dtype=jnp.float32) * 0.05  # Linear(64 -> 32)
    b2 = jnp.zeros((32,), dtype=jnp.float32)
    W3 = jax.random.normal(ks[6], (1, 32), dtype=jnp.float32) * 0.05   # Linear(32 -> 1)
    b3 = jnp.zeros((1,), dtype=jnp.float32)
    return {
        "user_idx": user_idx,
        "item_idx": item_idx,
        "user_table": user_table,
        "item_table": item_table,
        "W1": W1, "b1": b1,
        "W2": W2, "b2": b2,
        "W3": W3, "b3": b3,
    }


def reference(user_idx, item_idx, user_table, item_table, W1, b1, W2, b2, W3, b3):
    u = jnp.take(user_table, user_idx, axis=0)  # [B, emb_dim]
    v = jnp.take(item_table, item_idx, axis=0)  # [B, emb_dim]
    x = jnp.concatenate([u, v], axis=1)         # [B, 2*emb_dim]
    x = jax.nn.relu(x @ W1.T + b1)
    x = jax.nn.relu(x @ W2.T + b2)
    x = x @ W3.T + b3                            # [B, 1]
    return jnp.squeeze(x, axis=-1)               # [B]

if __name__ == "__main__":
    import jax
    _d = setup_inputs()
    print(jax.jit(kernel)(*tuple(_d.values())))

</pallas_src>

<mosaic_0001>
#map = affine_map<(d0, d1) -> (0)>
#map1 = affine_map<(d0, d1) -> (0, 0)>
module attributes {stable_mosaic.version = 14 : i64} {
  func.func @_sc_gather_body(%arg0: i32, %arg1: i32, %arg2: memref<1048576xi32, #tpu.memory_space<hbm>>, %arg3: memref<32000000xf32, #tpu.memory_space<hbm>>, %arg4: memref<32000000xf32, #tpu.memory_space<hbm>>, %arg5: memref<64x16384xf32, #tpu.memory_space<hbm>>, %arg6: memref<32768xi32, #tpu.memory_space<vmem>>, %arg7: memref<64x512xf32, #tpu.memory_space<vmem>>, %arg8: memref<!tpu.dma_semaphore, #tpu.memory_space<semaphore_mem>>) attributes {dimension_semantics = [#tpu.dimension_semantics<core_parallel>, #tpu.dimension_semantics<subcore_parallel>], iteration_bounds = array<i64: 2, 16>, scalar_prefetch = 0 : i64, scratch_operands = 3 : i64, tpu.core_type = #tpu.core_type<sc_vector_subcore>, window_params = [{transform_indices = #map}, {transform_indices = #map}, {transform_indices = #map}, {transform_indices = #map1}]} {
    %mul3A = arith.constant 2 : i32
    %mul3A_0 = arith.muli %arg1, %mul3A : i32
    %add3A = arith.addi %mul3A_0, %arg0 : i32
    %mul3A_1 = arith.constant 512 : i32
    %mul3A_2 = arith.muli %add3A, %mul3A_1 : i32
    %mul3A_3 = arith.constant 32768 : i32
    %mul3A_4 = arith.muli %add3A, %mul3A_3 : i32
    "tpu.region"() ({
      %run_scoped3A = tpu.sem_alloc : memref<!tpu.dma_semaphore, #tpu.memory_space<semaphore_mem>>
      %dma_start3A = tpu.memref_slice %arg2[%mul3A_4] : memref<1048576xi32, #tpu.memory_space<hbm>> -> memref<32768xi32, #tpu.memory_space<hbm>>
      %dma_start3A_19 = tpu.memref_slice %arg2[%mul3A_4] : memref<1048576xi32, #tpu.memory_space<hbm>> -> memref<32768xi32, #tpu.memory_space<hbm>>
      tpu.enqueue_dma source(%dma_start3A_19 : memref<32768xi32, #tpu.memory_space<hbm>>) target(%arg6 : memref<32768xi32, #tpu.memory_space<vmem>>) target_semaphore(%run_scoped3A : memref<!tpu.dma_semaphore, #tpu.memory_space<semaphore_mem>>)
      %dma_wait3A_20 = tpu.memref_slice %arg2[%mul3A_4] : memref<1048576xi32, #tpu.memory_space<hbm>> -> memref<32768xi32, #tpu.memory_space<hbm>>
      %dma_wait3A_21 = tpu.memref_slice %arg2[%mul3A_4] : memref<1048576xi32, #tpu.memory_space<hbm>> -> memref<32768xi32, #tpu.memory_space<hbm>>
      tpu.wait_dma2 semaphore(%run_scoped3A : memref<!tpu.dma_semaphore, #tpu.memory_space<semaphore_mem>>) src(%dma_wait3A_21 : memref<32768xi32, #tpu.memory_space<hbm>>) dst(%arg6 : memref<32768xi32, #tpu.memory_space<vmem>>)
      tpu.yield
    }) : () -> ()
    %scan3A = arith.constant 0 : i32
    %scan3A_5 = arith.constant 0 : i32
    %scan3A_6 = arith.constant 32 : i32
    %scan3A_7 = arith.addi %scan3A_5, %scan3A_6 : i32
    %scan3A_8 = arith.constant 1 : i32
    scf.for %scan3A_19 = %scan3A_5 to %scan3A_7 step %scan3A_8  : i32 {
      %mul3A_20 = arith.constant 512 : i32
      %mul3A_21 = arith.muli %scan3A_19, %mul3A_20 : i32
      %add3A_22 = arith.constant 0 : i32
      %add3A_23 = arith.addi %mul3A_21, %add3A_22 : i32
      %dma_start3A = arith.constant 0 : i32
      %dma_start3A_24 = tpu.memref_slice %arg7[%scan3A_19, %dma_start3A] : memref<64x512xf32, #tpu.memory_space<vmem>> -> memref<1x128xf32, #tpu.memory_space<vmem>>
      %dma_start3A_25 = tpu.memref_squeeze %dma_start3A_24 : memref<1x128xf32, #tpu.memory_space<vmem>> -> memref<128xf32, #tpu.memory_space<vmem>>
      %dma_start3A_26 = tpu.memref_slice %arg6[%add3A_23] : memref<32768xi32, #tpu.memory_space<vmem>> -> memref<128xi32, #tpu.memory_space<vmem>>
      %dma_start3A_27 = arith.constant 0 : i32
      %dma_start3A_28 = tpu.memref_slice %arg3[%dma_start3A_27] : memref<32000000xf32, #tpu.memory_space<hbm>> -> memref<32000000xf32, #tpu.memory_space<hbm>>
      tpu.enqueue_indirect_dma source(%dma_start3A_28 : memref<32000000xf32, #tpu.memory_space<hbm>>) target(%dma_start3A_25 : memref<128xf32, #tpu.memory_space<vmem>>) offsets(%dma_start3A_26 : memref<128xi32, #tpu.memory_space<vmem>>) semaphore(%arg8 : memref<!tpu.dma_semaphore, #tpu.memory_space<semaphore_mem>>)
      %mul3A_29 = arith.constant 512 : i32
      %mul3A_30 = arith.muli %scan3A_19, %mul3A_29 : i32
      %add3A_31 = arith.constant 128 : i32
      %add3A_32 = arith.addi %mul3A_30, %add3A_31 : i32
      %dma_start3A_33 = arith.constant 128 : i32
      %dma_start3A_34 = tpu.memref_slice %arg7[%scan3A_19, %dma_start3A_33] : memref<64x512xf32, #tpu.memory_space<vmem>> -> memref<1x128xf32, #tpu.memory_space<vmem>>
      %dma_start3A_35 = tpu.memref_squeeze %dma_start3A_34 : memref<1x128xf32, #tpu.memory_space<vmem>> -> memref<128xf32, #tpu.memory_space<vmem>>
      %dma_start3A_36 = tpu.memref_slice %arg6[%add3A_32] : memref<32768xi32, #tpu.memory_space<vmem>> -> memref<128xi32, #tpu.memory_space<vmem>>
      %dma_start3A_37 = arith.constant 0 : i32
      %dma_start3A_38 = tpu.memref_slice %arg3[%dma_start3A_37] : memref<32000000xf32, #tpu.memory_space<hbm>> -> memref<32000000xf32, #tpu.memory_space<hbm>>
      tpu.enqueue_indirect_dma source(%dma_start3A_38 : memref<32000000xf32, #tpu.memory_space<hbm>>) target(%dma_start3A_35 : memref<128xf32, #tpu.memory_space<vmem>>) offsets(%dma_start3A_36 : memref<128xi32, #tpu.memory_space<vmem>>) semaphore(%arg8 : memref<!tpu.dma_semaphore, #tpu.memory_space<semaphore_mem>>)
      %mul3A_39 = arith.constant 512 : i32
      %mul3A_40 = arith.muli %scan3A_19, %mul3A_39 : i32
      %add3A_41 = arith.constant 256 : i32
      %add3A_42 = arith.addi %mul3A_40, %add3A_41 : i32
      %dma_start3A_43 = arith.constant 256 : i32
      %dma_start3A_44 = tpu.memref_slice %arg7[%scan3A_19, %dma_start3A_43] : memref<64x512xf32, #tpu.memory_space<vmem>> -> memref<1x128xf32, #tpu.memory_space<vmem>>
      %dma_start3A_45 = tpu.memref_squeeze %dma_start3A_44 : memref<1x128xf32, #tpu.memory_space<vmem>> -> memref<128xf32, #tpu.memory_space<vmem>>
      %dma_start3A_46 = tpu.memref_slice %arg6[%add3A_42] : memref<32768xi32, #tpu.memory_space<vmem>> -> memref<128xi32, #tpu.memory_space<vmem>>
      %dma_start3A_47 = arith.constant 0 : i32
      %dma_start3A_48 = tpu.memref_slice %arg3[%dma_start3A_47] : memref<32000000xf32, #tpu.memory_space<hbm>> -> memref<32000000xf32, #tpu.memory_space<hbm>>
      tpu.enqueue_indirect_dma source(%dma_start3A_48 : memref<32000000xf32, #tpu.memory_space<hbm>>) target(%dma_start3A_45 : memref<128xf32, #tpu.memory_space<vmem>>) offsets(%dma_start3A_46 : memref<128xi32, #tpu.memory_space<vmem>>) semaphore(%arg8 : memref<!tpu.dma_semaphore, #tpu.memory_space<semaphore_mem>>)
      %mul3A_49 = arith.constant 512 : i32
      %mul3A_50 = arith.muli %scan3A_19, %mul3A_49 : i32
      %add3A_51 = arith.constant 384 : i32
      %add3A_52 = arith.addi %mul3A_50, %add3A_51 : i32
      %dma_start3A_53 = arith.constant 384 : i32
      %dma_start3A_54 = tpu.memref_slice %arg7[%scan3A_19, %dma_start3A_53] : memref<64x512xf32, #tpu.memory_space<vmem>> -> memref<1x128xf32, #tpu.memory_space<vmem>>
      %dma_start3A_55 = tpu.memref_squeeze %dma_start3A_54 : memref<1x128xf32, #tpu.memory_space<vmem>> -> memref<128xf32, #tpu.memory_space<vmem>>
      %dma_start3A_56 = tpu.memref_slice %arg6[%add3A_52] : memref<32768xi32, #tpu.memory_space<vmem>> -> memref<128xi32, #tpu.memory_space<vmem>>
      %dma_start3A_57 = arith.constant 0 : i32
      %dma_start3A_58 = tpu.memref_slice %arg3[%dma_start3A_57] : memref<32000000xf32, #tpu.memory_space<hbm>> -> memref<32000000xf32, #tpu.memory_space<hbm>>
      tpu.enqueue_indirect_dma source(%dma_start3A_58 : memref<32000000xf32, #tpu.memory_space<hbm>>) target(%dma_start3A_55 : memref<128xf32, #tpu.memory_space<vmem>>) offsets(%dma_start3A_56 : memref<128xi32, #tpu.memory_space<vmem>>) semaphore(%arg8 : memref<!tpu.dma_semaphore, #tpu.memory_space<semaphore_mem>>)
    }
    %scan3A_9 = arith.constant 32 : i32
    %scan3A_10 = arith.constant 0 : i32
    %scan3A_11 = arith.constant 32 : i32
    %scan3A_12 = arith.constant 32 : i32
    %scan3A_13 = arith.addi %scan3A_11, %scan3A_12 : i32
    %scan3A_14 = arith.constant 1 : i32
    scf.for %scan3A_19 = %scan3A_11 to %scan3A_13 step %scan3A_14  : i32 {
      %mul3A_20 = arith.constant 512 : i32
      %mul3A_21 = arith.muli %scan3A_19, %mul3A_20 : i32
      %add3A_22 = arith.constant 0 : i32
      %add3A_23 = arith.addi %mul3A_21, %add3A_22 : i32
      %dma_start3A = arith.constant 0 : i32
      %dma_start3A_24 = tpu.memref_slice %arg7[%scan3A_19, %dma_start3A] : memref<64x512xf32, #tpu.memory_space<vmem>> -> memref<1x128xf32, #tpu.memory_space<vmem>>
      %dma_start3A_25 = tpu.memref_squeeze %dma_start3A_24 : memref<1x128xf32, #tpu.memory_space<vmem>> -> memref<128xf32, #tpu.memory_space<vmem>>
      %dma_start3A_26 = tpu.memref_slice %arg6[%add3A_23] : memref<32768xi32, #tpu.memory_space<vmem>> -> memref<128xi32, #tpu.memory_space<vmem>>
      %dma_start3A_27 = arith.constant 0 : i32
      %dma_start3A_28 = tpu.memref_slice %arg4[%dma_start3A_27] : memref<32000000xf32, #tpu.memory_space<hbm>> -> memref<32000000xf32, #tpu.memory_space<hbm>>
      tpu.enqueue_indirect_dma source(%dma_start3A_28 : memref<32000000xf32, #tpu.memory_space<hbm>>) target(%dma_start3A_25 : memref<128xf32, #tpu.memory_space<vmem>>) offsets(%dma_start3A_26 : memref<128xi32, #tpu.memory_space<vmem>>) semaphore(%arg8 : memref<!tpu.dma_semaphore, #tpu.memory_space<semaphore_mem>>)
      %mul3A_29 = arith.constant 512 : i32
      %mul3A_30 = arith.muli %scan3A_19, %mul3A_29 : i32
      %add3A_31 = arith.constant 128 : i32
      %add3A_32 = arith.addi %mul3A_30, %add3A_31 : i32
      %dma_start3A_33 = arith.constant 128 : i32
      %dma_start3A_34 = tpu.memref_slice %arg7[%scan3A_19, %dma_start3A_33] : memref<64x512xf32, #tpu.memory_space<vmem>> -> memref<1x128xf32, #tpu.memory_space<vmem>>
      %dma_start3A_35 = tpu.memref_squeeze %dma_start3A_34 : memref<1x128xf32, #tpu.memory_space<vmem>> -> memref<128xf32, #tpu.memory_space<vmem>>
      %dma_start3A_36 = tpu.memref_slice %arg6[%add3A_32] : memref<32768xi32, #tpu.memory_space<vmem>> -> memref<128xi32, #tpu.memory_space<vmem>>
      %dma_start3A_37 = arith.constant 0 : i32
      %dma_start3A_38 = tpu.memref_slice %arg4[%dma_start3A_37] : memref<32000000xf32, #tpu.memory_space<hbm>> -> memref<32000000xf32, #tpu.memory_space<hbm>>
      tpu.enqueue_indirect_dma source(%dma_start3A_38 : memref<32000000xf32, #tpu.memory_space<hbm>>) target(%dma_start3A_35 : memref<128xf32, #tpu.memory_space<vmem>>) offsets(%dma_start3A_36 : memref<128xi32, #tpu.memory_space<vmem>>) semaphore(%arg8 : memref<!tpu.dma_semaphore, #tpu.memory_space<semaphore_mem>>)
      %mul3A_39 = arith.constant 512 : i32
      %mul3A_40 = arith.muli %scan3A_19, %mul3A_39 : i32
      %add3A_41 = arith.constant 256 : i32
      %add3A_42 = arith.addi %mul3A_40, %add3A_41 : i32
      %dma_start3A_43 = arith.constant 256 : i32
      %dma_start3A_44 = tpu.memref_slice %arg7[%scan3A_19, %dma_start3A_43] : memref<64x512xf32, #tpu.memory_space<vmem>> -> memref<1x128xf32, #tpu.memory_space<vmem>>
      %dma_start3A_45 = tpu.memref_squeeze %dma_start3A_44 : memref<1x128xf32, #tpu.memory_space<vmem>> -> memref<128xf32, #tpu.memory_space<vmem>>
      %dma_start3A_46 = tpu.memref_slice %arg6[%add3A_42] : memref<32768xi32, #tpu.memory_space<vmem>> -> memref<128xi32, #tpu.memory_space<vmem>>
      %dma_start3A_47 = arith.constant 0 : i32
      %dma_start3A_48 = tpu.memref_slice %arg4[%dma_start3A_47] : memref<32000000xf32, #tpu.memory_space<hbm>> -> memref<32000000xf32, #tpu.memory_space<hbm>>
      tpu.enqueue_indirect_dma source(%dma_start3A_48 : memref<32000000xf32, #tpu.memory_space<hbm>>) target(%dma_start3A_45 : memref<128xf32, #tpu.memory_space<vmem>>) offsets(%dma_start3A_46 : memref<128xi32, #tpu.memory_space<vmem>>) semaphore(%arg8 : memref<!tpu.dma_semaphore, #tpu.memory_space<semaphore_mem>>)
      %mul3A_49 = arith.constant 512 : i32
      %mul3A_50 = arith.muli %scan3A_19, %mul3A_49 : i32
      %add3A_51 = arith.constant 384 : i32
      %add3A_52 = arith.addi %mul3A_50, %add3A_51 : i32
      %dma_start3A_53 = arith.constant 384 : i32
      %dma_start3A_54 = tpu.memref_slice %arg7[%scan3A_19, %dma_start3A_53] : memref<64x512xf32, #tpu.memory_space<vmem>> -> memref<1x128xf32, #tpu.memory_space<vmem>>
      %dma_start3A_55 = tpu.memref_squeeze %dma_start3A_54 : memref<1x128xf32, #tpu.memory_space<vmem>> -> memref<128xf32, #tpu.memory_space<vmem>>
      %dma_start3A_56 = tpu.memref_slice %arg6[%add3A_52] : memref<32768xi32, #tpu.memory_space<vmem>> -> memref<128xi32, #tpu.memory_space<vmem>>
      %dma_start3A_57 = arith.constant 0 : i32
      %dma_start3A_58 = tpu.memref_slice %arg4[%dma_start3A_57] : memref<32000000xf32, #tpu.memory_space<hbm>> -> memref<32000000xf32, #tpu.memory_space<hbm>>
      tpu.enqueue_indirect_dma source(%dma_start3A_58 : memref<32000000xf32, #tpu.memory_space<hbm>>) target(%dma_start3A_55 : memref<128xf32, #tpu.memory_space<vmem>>) offsets(%dma_start3A_56 : memref<128xi32, #tpu.memory_space<vmem>>) semaphore(%arg8 : memref<!tpu.dma_semaphore, #tpu.memory_space<semaphore_mem>>)
    }
    %scan3A_15 = arith.constant 32 : i32
    %dma_wait3A = arith.constant 0 : i32
    %dma_wait3A_16 = tpu.memref_slice %arg5[%dma_wait3A, %mul3A_2] : memref<64x16384xf32, #tpu.memory_space<hbm>> -> memref<64x512xf32, #tpu.memory_space<hbm>>
    %dma_wait3A_17 = arith.constant 0 : i32
    %dma_wait3A_18 = tpu.memref_slice %arg5[%dma_wait3A_17, %mul3A_2] : memref<64x16384xf32, #tpu.memory_space<hbm>> -> memref<64x512xf32, #tpu.memory_space<hbm>>
    tpu.wait_dma2 semaphore(%arg8 : memref<!tpu.dma_semaphore, #tpu.memory_space<semaphore_mem>>) src(%dma_wait3A_18 : memref<64x512xf32, #tpu.memory_space<hbm>>) dst(%arg7 : memref<64x512xf32, #tpu.memory_space<vmem>>)
    "tpu.region"() ({
      %run_scoped3A = tpu.sem_alloc : memref<!tpu.dma_semaphore, #tpu.memory_space<semaphore_mem>>
      %dma_start3A = arith.constant 0 : i32
      %dma_start3A_19 = tpu.memref_slice %arg5[%dma_start3A, %mul3A_2] : memref<64x16384xf32, #tpu.memory_space<hbm>> -> memref<64x512xf32, #tpu.memory_space<hbm>>
      %dma_start3A_20 = arith.constant 0 : i32
      %dma_start3A_21 = tpu.memref_slice %arg5[%dma_start3A_20, %mul3A_2] : memref<64x16384xf32, #tpu.memory_space<hbm>> -> memref<64x512xf32, #tpu.memory_space<hbm>>
      tpu.enqueue_dma source(%arg7 : memref<64x512xf32, #tpu.memory_space<vmem>>) target(%dma_start3A_21 : memref<64x512xf32, #tpu.memory_space<hbm>>) target_semaphore(%run_scoped3A : memref<!tpu.dma_semaphore, #tpu.memory_space<semaphore_mem>>)
      %dma_wait3A_22 = arith.constant 0 : i32
      %dma_wait3A_23 = tpu.memref_slice %arg5[%dma_wait3A_22, %mul3A_2] : memref<64x16384xf32, #tpu.memory_space<hbm>> -> memref<64x512xf32, #tpu.memory_space<hbm>>
      %dma_wait3A_24 = arith.constant 0 : i32
      %dma_wait3A_25 = tpu.memref_slice %arg5[%dma_wait3A_24, %mul3A_2] : memref<64x16384xf32, #tpu.memory_space<hbm>> -> memref<64x512xf32, #tpu.memory_space<hbm>>
      tpu.wait_dma2 semaphore(%run_scoped3A : memref<!tpu.dma_semaphore, #tpu.memory_space<semaphore_mem>>) src(%arg7 : memref<64x512xf32, #tpu.memory_space<vmem>>) dst(%dma_wait3A_25 : memref<64x512xf32, #tpu.memory_space<hbm>>)
      tpu.yield
    }) : () -> ()
    return
  }
}

module attributes {stable_mosaic.version = 14 : i64} {
  func.func @_mlp_body(%arg0: i32, %arg1: memref<64x2048xf32, #tpu.memory_space<vmem>>, %arg2: memref<64x64xf32, #tpu.memory_space<vmem>>, %arg3: memref<64x1xf32, #tpu.memory_space<vmem>>, %arg4: memref<32x64xf32, #tpu.memory_space<vmem>>, %arg5: memref<32x1xf32, #tpu.memory_space<vmem>>, %arg6: memref<1x32xf32, #tpu.memory_space<vmem>>, %arg7: memref<1x1xf32, #tpu.memory_space<vmem>>, %arg8: memref<2048xf32, #tpu.memory_space<vmem>>) attributes {dimension_semantics = [#tpu.dimension_semantics<arbitrary>], iteration_bounds = array<i64: 8>, scalar_prefetch = 0 : i64, scratch_operands = 0 : i64, tpu.core_type = #tpu.core_type<tc>, window_params = [{transform_indices = @transform_0, window_bounds = array<i64: 64, 2048>}, {pipeline_mode = #tpu.pipeline_mode<synchronous>, transform_indices = @transform_1, window_bounds = array<i64: 64, 64>}, {pipeline_mode = #tpu.pipeline_mode<synchronous>, transform_indices = @transform_2, window_bounds = array<i64: 64, 1>}, {pipeline_mode = #tpu.pipeline_mode<synchronous>, transform_indices = @transform_3, window_bounds = array<i64: 32, 64>}, {pipeline_mode = #tpu.pipeline_mode<synchronous>, transform_indices = @transform_4, window_bounds = array<i64: 32, 1>}, {pipeline_mode = #tpu.pipeline_mode<synchronous>, transform_indices = @transform_5, window_bounds = array<i64: 1, 32>}, {pipeline_mode = #tpu.pipeline_mode<synchronous>, transform_indices = @transform_6, window_bounds = array<i64: 1, 1>}, {transform_indices = @transform_7, window_bounds = array<i64: 2048>}]} {
    %get3A = arith.constant 0 : index
    %get3A_0 = arith.constant 0 : index
    %get3A_1 = vector.load %arg2[%get3A, %get3A_0] : memref<64x64xf32, #tpu.memory_space<vmem>>, vector<64x64xf32>
    %get3A_2 = arith.constant 0 : index
    %get3A_3 = arith.constant 0 : index
    %get3A_4 = vector.load %arg1[%get3A_2, %get3A_3] : memref<64x2048xf32, #tpu.memory_space<vmem>>, vector<64x2048xf32>
    %dot_general3A = arith.constant dense<0.000000e+00> : vector<64x2048xf32>
    %dot_general3A_5 = tpu.matmul %get3A_1, %get3A_4, %dot_general3A {dimension_numbers = #tpu.dot_dimension_numbers<[1], [0], [0], [1], [0, 0, 1, 1], [], []>, transpose_lhs_hint = false} : vector<64x64xf32>, vector<64x2048xf32>, vector<64x2048xf32> -> vector<64x2048xf32>
    %get3A_6 = arith.constant 0 : index
    %get3A_7 = arith.constant 0 : index
    %get3A_8 = vector.load %arg3[%get3A_6, %get3A_7] : memref<64x1xf32, #tpu.memory_space<vmem>>, vector<64x1xf32>
    %add3A = vector.broadcast %get3A_8 : vector<64x1xf32> to vector<64x2048xf32>
    %add3A_9 = arith.addf %dot_general3A_5, %add3A : vector<64x2048xf32>
    %max3A = arith.constant 0.000000e+00 : f32
    %max3A_10 = vector.broadcast %max3A : f32 to vector<64x2048xf32>
    %max3A_11 = arith.maximumf %add3A_9, %max3A_10 : vector<64x2048xf32>
    %get3A_12 = arith.constant 0 : index
    %get3A_13 = arith.constant 0 : index
    %get3A_14 = vector.load %arg4[%get3A_12, %get3A_13] : memref<32x64xf32, #tpu.memory_space<vmem>>, vector<32x64xf32>
    %dot_general3A_15 = arith.constant dense<0.000000e+00> : vector<32x2048xf32>
    %dot_general3A_16 = tpu.matmul %get3A_14, %max3A_11, %dot_general3A_15 {dimension_numbers = #tpu.dot_dimension_numbers<[1], [0], [0], [1], [0, 0, 1, 1], [], []>, transpose_lhs_hint = false} : vector<32x64xf32>, vector<64x2048xf32>, vector<32x2048xf32> -> vector<32x2048xf32>
    %get3A_17 = arith.constant 0 : index
    %get3A_18 = arith.constant 0 : index
    %get3A_19 = vector.load %arg5[%get3A_17, %get3A_18] : memref<32x1xf32, #tpu.memory_space<vmem>>, vector<32x1xf32>
    %add3A_20 = vector.broadcast %get3A_19 : vector<32x1xf32> to vector<32x2048xf32>
    %add3A_21 = arith.addf %dot_general3A_16, %add3A_20 : vector<32x2048xf32>
    %max3A_22 = arith.constant 0.000000e+00 : f32
    %max3A_23 = vector.broadcast %max3A_22 : f32 to vector<32x2048xf32>
    %max3A_24 = arith.maximumf %add3A_21, %max3A_23 : vector<32x2048xf32>
    %get3A_25 = arith.constant 0 : index
    %get3A_26 = arith.constant 0 : index
    %get3A_27 = vector.load %arg6[%get3A_25, %get3A_26] : memref<1x32xf32, #tpu.memory_space<vmem>>, vector<1x32xf32>
    %dot_general3A_28 = arith.constant dense<0.000000e+00> : vector<1x2048xf32>
    %dot_general3A_29 = tpu.matmul %get3A_27, %max3A_24, %dot_general3A_28 {dimension_numbers = #tpu.dot_dimension_numbers<[1], [0], [0], [1], [0, 0, 1, 1], [], []>, transpose_lhs_hint = false} : vector<1x32xf32>, vector<32x2048xf32>, vector<1x2048xf32> -> vector<1x2048xf32>
    %squeeze3A = vector.shape_cast %dot_general3A_29 : vector<1x2048xf32> to vector<2048xf32>
    %get3A_30 = arith.constant 0 : index
    %get3A_31 = arith.constant 0 : index
    %get3A_32 = vector.load %arg7[%get3A_30, %get3A_31] : memref<1x1xf32, #tpu.memory_space<vmem>>, vector<1x1xf32>
    %get3A_33 = vector.extract %get3A_32[0, 0] : f32 from vector<1x1xf32>
    %add3A_34 = vector.broadcast %get3A_33 : f32 to vector<2048xf32>
    %add3A_35 = arith.addf %squeeze3A, %add3A_34 : vector<2048xf32>
    %swap3A = arith.constant 0 : index
    %swap3A_36 = vector.load %arg8[%swap3A] : memref<2048xf32, #tpu.memory_space<vmem>>, vector<2048xf32>
    tpu.vector_store %arg8[%swap3A], %add3A_35 {strides = array<i32>} : memref<2048xf32, #tpu.memory_space<vmem>>, vector<2048xf32>,
    return
  }
  func.func @transform_0(%arg0: i32) -> (i32, i32) {
    %c0_i32 = arith.constant 0 : i32
    %c0_i32_0 = arith.constant 0 : i32
    return %c0_i32, %arg0 : i32, i32
  }
  func.func @transform_1(%arg0: i32) -> (i32, i32) {
    %c0_i32 = arith.constant 0 : i32
    %c0_i32_0 = arith.constant 0 : i32
    %c0_i32_1 = arith.constant 0 : i32
    return %c0_i32, %c0_i32_0 : i32, i32
  }
  func.func @transform_2(%arg0: i32) -> (i32, i32) {
    %c0_i32 = arith.constant 0 : i32
    %c0_i32_0 = arith.constant 0 : i32
    %c0_i32_1 = arith.constant 0 : i32
    return %c0_i32, %c0_i32_0 : i32, i32
  }
  func.func @transform_3(%arg0: i32) -> (i32, i32) {
    %c0_i32 = arith.constant 0 : i32
    %c0_i32_0 = arith.constant 0 : i32
    %c0_i32_1 = arith.constant 0 : i32
    return %c0_i32, %c0_i32_0 : i32, i32
  }
  func.func @transform_4(%arg0: i32) -> (i32, i32) {
    %c0_i32 = arith.constant 0 : i32
    %c0_i32_0 = arith.constant 0 : i32
    %c0_i32_1 = arith.constant 0 : i32
    return %c0_i32, %c0_i32_0 : i32, i32
  }
  func.func @transform_5(%arg0: i32) -> (i32, i32) {
    %c0_i32 = arith.constant 0 : i32
    %c0_i32_0 = arith.constant 0 : i32
    %c0_i32_1 = arith.constant 0 : i32
    return %c0_i32, %c0_i32_0 : i32, i32
  }
  func.func @transform_6(%arg0: i32) -> (i32, i32) {
    %c0_i32 = arith.constant 0 : i32
    %c0_i32_0 = arith.constant 0 : i32
    %c0_i32_1 = arith.constant 0 : i32
    return %c0_i32, %c0_i32_0 : i32, i32
  }
  func.func @transform_7(%arg0: i32) -> i32 {
    %c0_i32 = arith.constant 0 : i32
    return %arg0 : i32
  }
}

</mosaic_0001>

<sc_bundles>
// kernel: kernel.4.cloned.1.call-start
scs
__scs_entry_jumppad:
0x0: {  	(pc) =	sbr.rel $0x88, $3  }
0x1: {  	(tag) =	ssettag $0x0;
	lr =	simm.s32 $0x1  }
0x2: {  	[smem:$0x3F97] =	sst lr;
	_ =	strace $0xD0000000  }
0x3: {  	_ = 	snop  }
0x4: {  	_ = 	snop  }
0x5: {  	_ = 	snop  }
0x6: {  	_ = 	snop  }
0x7: {  	_ = 	snop  }
__scs_overlays_trampoline_lowered:
0x8: {  	[smem:$0x3FA6] =	sst s0  }
0x9: {  	[smem:$0x3FA7] =	sst s1  }
0xa: {  	[smem:$0x3FA8] =	sst s2  }
0xb: {  	[smem:$0x3FA9] =	sst s3  }
0xc: {  	[smem:$0x3FAA] =	sst s4  }
0xd: {  	[smem:$0x3FAB] =	sst s5  }
0xe: {  	[smem:$0x3FAC] =	sst s6  }
0xf: {  	[smem:$0x3FAD] =	sst s7  }
0x10: {  	[smem:$0x3FAE] =	sst s8  }
0x11: {  	[smem:$0x3FAF] =	sst s9;
	s0 =	simm.s32 @!p0 $0x0  }
0x12: {  	s1 =	sld [smem:$0x3F95];
	s0 =	simm.s32 @p0 $0x1  }
0x13: {  	[smem:$0x3FB0] =	sst s0;
	s0 =	simm.s32 @!p1 $0x0  }
0x14: {  	s2 =	sld [smem:$0x3F94];
	s0 =	simm.s32 @p1 $0x1  }
0x15: {  	[smem:$0x3FB1] =	sst s0;
	s0 =	simm.s32 @!p2 $0x0  }
0x16: {  	s3 =	sld [smem:$0x3FDB];
	s0 =	simm.s32 @p2 $0x1  }
0x17: {  	s4 =	simm.s32 $0x1BF5;
	[smem:$0x3FB3] =	sst s0  }
0x18: {  	s0 =	sld [smem:$0x3F96];
	_ =	swait.ge [sflag:s4], $0x0  }
0x19: {  	s7 =	sld [smem:$0x3F97]  }
0x1a: {  	s8 =	sadd.s32 $0xFFFFE003, lr  }
0x1b: {  	s9 =	sadd.s32 $0xFFFFFEF7, lr;
	s5 =	simm.s32 $0xFFFFFFFF;
	p2 =	slt.u32 s8, $0xFFFFF086  }
0x1c: {  	p1 =	slt.u32 s9, $0xF7A;
	s5 =	simm.s32 @!p2 $0x0  }
0x1d: {  	s5 =	simm.s32 @p1 $0x1;
	p0 =	seq.s32 s7, s2  }
0x1e: {  	s7 =	smul.u32 @!p0 $0xF7A, s2;
	p2 =	seq.s32 @!p0 s5, $0x0  }
0x1f: {  	s9 =	smul.u32 $0xF7A, s1;
	s8 =	simm.s32 @!p0 $0x1BF5;
	p2 =	por !p2, p0  }
0x20: {  	[sflag:s8] =	ssyncset.s32 @!p0 $0xFFFFF086;
	s6 =	sadd.s32 @!p0 s3, s7;
	s7 =	simm.s32 @!p0 $0x108  }
0x21: {  	s3 =	sadd.s32 s3, s9;
	s6 =	sadd.s32 @!p0 $0x88, s6;
	s7 =	simm.s32 @p2 $0x1082  }
0x22: {  	[simem:s7], [sflag:s8] =	dma.local @!p0 [hbm:s6], $0xF7A  }
0x23: {  	s9 =	sor.u32 $0xD0000000, s2;
	s6 =	simm.s32 $0x108;
	_ =	swait.ge @!p0 [sflag:s8], $0x0  }
0x24: {  	s3 =	sadd.s32 $0x88, s3;
	s6 =	simm.s32 @!p1 $0x1082;
	[sflag:s4] =	ssyncset.s32 $0xFFFFF086  }
0x25: {  	[simem:s6], [sflag:s4] =	dma.local [hbm:s3], $0xF7A  }
0x26: {  	[smem:$0x3F97] =	sst s1;
	(tag) =	ssettag s2;
	_ =	strace s9  }
0x27: {  	s1 =	sld [smem:$0x3FA7]  }
0x28: {  	s2 =	sld [smem:$0x3FA8]  }
0x29: {  	s4 =	sld [smem:$0x3FAA]  }
0x2a: {  	p0 =	seq.s32 s5, $0x0;
	s5 =	sld [smem:$0x3FAB]  }
0x2b: {  	s6 =	sld [smem:$0x3FAC]  }
0x2c: {  	s7 =	sld [smem:$0x3FAD]  }
0x2d: {  	s3 =	simm.s32 $0x108;
	s8 =	sld [smem:$0x3FAE]  }
0x2e: {  	s3 =	simm.s32 @!p0 $0x1082;
	s9 =	sld [smem:$0x3FAF]  }
0x2f: {  	lr =	sadd.s32 s0, s3;
	s0 =	sld [smem:$0x3FA6]  }
0x30: {  	s3 =	sld [smem:$0x3FA9]  }
0x31: {  	[smem:$0x3FB2] =	sst s10  }
0x32: {  	s10 =	sld [smem:$0x3FB0];
	_ =	sdelay $0x3  }
0x33: {  	p0 =	seq.s32 s10, $0x1;
	s10 =	sld [smem:$0x3FB2];
	_ =	sdelay $0x3  }
0x34: {  	[smem:$0x3FB2] =	sst s10  }
0x35: {  	s10 =	sld [smem:$0x3FB1];
	_ =	sdelay $0x3  }
0x36: {  	p1 =	seq.s32 s10, $0x1;
	s10 =	sld [smem:$0x3FB2];
	_ =	sdelay $0x3  }
0x37: {  	[smem:$0x3FB2] =	sst s10  }
0x38: {  	s10 =	sld [smem:$0x3FB3]  }
0x39: {  	_ = 	snop;
	(pc) =	sbr.ind lr, $3  }
0x3a: {  	_ = 	snop  }
0x3b: {  	_ = 	snop  }
0x3c: {  	p2 =	seq.s32 s10, $0x1;
	s10 =	sld [smem:$0x3FB2]  }
0x3d: {  	_ =	shalt  }
0x3e: {  	_ =	shalt  }
0x3f: {  	_ =	shalt  }
0x40: {  	_ =	shalt  }
0x41: {  	_ =	shalt  }
0x42: {  	_ =	shalt  }
0x43: {  	_ =	shalt  }
0x44: {  	_ =	shalt  }
0x45: {  	_ =	shalt  }
0x46: {  	_ =	shalt  }
0x47: {  	_ =	shalt  }
0x48: {  	_ =	shalt  }
0x49: {  	_ =	shalt  }
0x4a: {  	_ =	shalt  }
0x4b: {  	_ =	shalt  }
0x4c: {  	_ =	shalt  }
0x4d: {  	_ =	shalt  }
0x4e: {  	_ =	shalt  }
0x4f: {  	_ =	shalt  }
0x50: {  	_ =	shalt  }
0x51: {  	_ =	shalt  }
0x52: {  	_ =	shalt  }
0x53: {  	_ =	shalt  }
0x54: {  	_ =	shalt  }
0x55: {  	_ =	shalt  }
0x56: {  	_ =	shalt  }
0x57: {  	_ =	shalt  }
0x58: {  	_ =	shalt  }
0x59: {  	_ =	shalt  }
0x5a: {  	_ =	shalt  }
0x5b: {  	_ =	shalt  }
0x5c: {  	_ =	shalt  }
0x5d: {  	_ =	shalt  }
0x5e: {  	_ =	shalt  }
0x5f: {  	_ =	shalt  }
0x60: {  	_ =	shalt  }
0x61: {  	_ =	shalt  }
0x62: {  	_ =	shalt  }
0x63: {  	_ =	shalt  }
0x64: {  	_ =	shalt  }
0x65: {  	_ =	shalt  }
0x66: {  	_ =	shalt  }
0x67: {  	_ =	shalt  }
0x68: {  	_ =	shalt  }
0x69: {  	_ =	shalt  }
0x6a: {  	_ =	shalt  }
0x6b: {  	_ =	shalt  }
0x6c: {  	_ =	shalt  }
0x6d: {  	_ =	shalt  }
0x6e: {  	_ =	shalt  }
0x6f: {  	_ =	shalt  }
0x70: {  	_ =	shalt  }
0x71: {  	_ =	shalt  }
0x72: {  	_ =	shalt  }
0x73: {  	_ =	shalt  }
0x74: {  	_ =	shalt  }
0x75: {  	_ =	shalt  }
0x76: {  	_ =	shalt  }
0x77: {  	_ =	shalt  }
0x78: {  	_ =	shalt  }
0x79: {  	_ =	shalt  }
0x7a: {  	_ =	shalt  }
0x7b: {  	_ =	shalt  }
0x7c: {  	_ =	shalt  }
0x7d: {  	_ =	shalt  }
0x7e: {  	_ =	shalt  }
0x7f: {  	_ =	shalt  }
0x80: {  	_ =	shalt  }
0x81: {  	_ =	shalt  }
0x82: {  	_ =	shalt  }
0x83: {  	_ =	shalt  }
0x84: {  	_ =	shalt  }
0x85: {  	_ =	shalt  }
0x86: {  	_ =	shalt  }
0x87: {  	_ =	shalt  }
.Lfunc_end0:
.L_simem_size_0:
called_computation_lowered:
.L_overlay_start_0:
0x88: {  	s2 =	sld [smem:$0x3FD9]  }
0x89: {  	s3 =	sld [smem:$0x3FFE];
	_ =	sdelay $0x1  }
0x8a: {  	s1 =	srdreg.scid  }
0x8b: {  	s0 =	sand.u32 $0x1, s1  }
0x8c: {  	s16 =	sshll.u32 s0, $0xA;
	s2 =	sadd.s32 s3, s2  }
0x8d: {  	s2 =	sadd.s32 s2, s16  }
0x8e: {  	[smem:$0x3FBE] =	sst s2  }
0x8f: {  	_ = 	snop  }
0x90: {  	(tm) =	ssettm $0x1  }
0x91: {  	s17 =	sld [smem:$0x3FFB];
	_ =	sdelay $0x3  }
0x92: {  	_ =	strace s17  }
0x93: {  	s2 =	sld [smem:$0x3FFC];
	_ =	sdelay $0x3  }
0x94: {  	_ =	strace s2  }
0x95: {  	s2 =	sld [smem:$0x3FFD];
	_ =	sdelay $0x3  }
0x96: {  	_ =	strace s2  }
0x97: {  	_ =	strace $0x8FFFFFFF  }
0x98: {  	s18 =	sld [smem:$0x3FDB];
	_ =	sdelay $0x1  }
0x99: {  	s19 =	simm.s32 $_scs_section_size  }
0x9a: {  	s4 =	simm.s32 $_size__tile_overlayer_lowered;
	s5 =	simm.s32 $_tile_overlayer_lowered  }
0x9b: {  	s22 =	simm.s32 $0x1BFF;
	s21 =	sshll.u32 s5, $0x1;
	s2 =	sadd.s32 s19, s18  }
0x9c: {  	s6 =	simm.s32 $0x0;
	s20 =	sshll.u32 s4, $0x1;
	s4 =	sadd.s32 s21, s2  }
0x9d: {  	[timem:s6], [sflag:s22] =	dma.local [hbm:s4], s20  }
0x9e: {  	_ =	swait.ge [sflag:s22], s20  }
0x9f: {  	s3 =	ssub.s32 $0x0, s20;
	[sflag:s22] =	ssyncset.done $0x0  }
0xa0: {  	[sflag:s22] =	ssyncadd.s32 s3;
	_ =	sdelay $0x1  }
0xa1: {  	s23 =	simm.s32 $0x1B8B  }
0xa2: {  	_ =	swait.ge [sflag:s23], $0x1  }
0xa3: {  	[sflag:s23] =	ssyncset.done $0x0  }
0xa4: {  	s25 =	simm.s32 $0x1B8E;
	s24 =	sld [smem:$0x3FFE];
	[sflag:s23] =	ssyncadd.s32 $0xFFFFFFFF  }
0xa5: {  	s26 =	simm.s32 $execute0_lowered;
	[smem:$0x3FD2] =	sst s25  }
0xa6: {  	s4 =	sshll.u32 s26, $0x1;
	_ =	strace $0x80000046;
	[dreg:$0x1] =	wrdreg $0xFFFFFFFF  }
0xa7: {  	s28 =	simm.s32 $_size_execute0_lowered;
	s2 =	sadd.s32 s2, s4;
	[dreg:$0x0] =	wrdreg $0x0  }
0xa8: {  	s4 =	sshll.u32 s28, $0x1;
	[dreg:$0x2] =	wrdreg s2  }
0xa9: {  	[dreg:$0x3] =	wrdreg s4  }
0xaa: {  	[dreg:$0x4] =	wrdreg $0xC0  }
0xab: {  	_ =	task [dreg:s6], $0x5FFFF  }
0xac: {  	[dreg:$0x1] =	wrdreg $0xFFFFFFFF  }
0xad: {  	[dreg:$0x0] =	wrdreg $0x60  }
0xae: {  	[dreg:$0x2] =	wrdreg s24  }
0xaf: {  	[dreg:$0x3] =	wrdreg $0x9  }
0xb0: {  	_ =	task.clear_ibuf [dreg:s6], $0x4FFFF;
	_ =	strace $0x90000046  }
0xb1: {  	s29 =	simm.s32 $0x9;
	_ =	strace $0x80000048  }
0xb2: {  	_ =	swait.ge [sflag:s29], $0x1  }
0xb3: {  	[sflag:s29] =	ssyncadd.s32 $0xFFFFFFFF  }
0xb4: {  	_ =	strace $0x90000048  }
0xb5: {  	_ =	sfence  }
0xb6: {  	s30 =	sld [smem:$0x0];
	_ =	sdelay $0x2  }
0xb7: {  	s31 =	sshll.u32 s1, $0xD;
	s1 =	sshrl.u32 s1, $0x2  }
0xb8: {  	s3 =	sand.u32 $0x4000, s31;
	s1 =	sadd.s32 s1, s30  }
0xb9: {  	s0 =	sor.u32 s3, s0;
	s1 =	sshll.u32 s1, $0x11  }
0xba: {  	s0 =	sor.u32 s1, s0  }
0xbb: {  	s0 =	sadd.s32 $0x8F2B, s0  }
0xbc: {  	[sflag:s0] =	ssyncadd.remote.s32 $0x1  }
0xbd: {  	_ =	sfence.sel $0xFFFF  }
0xbe: {  	[dreg:$0x0] =	wrdreg $0xFFFFFFFF;
	(pc) =	sbr.abs _section_cstart, $3  }
0xbf: {  	[dreg:$0x1] =	wrdreg $0xFFFFFFFF  }
0xc0: {  	_ =	task.clear_ibuf [dreg:s6], $0x2FFFF;
	_ =	strace $0x9FFFFFFF  }
0xc1: {  	(tm) =	ssettm $0x7FFFFFFF  }
tec
execute0_lowered:
.L_overlay_start_1:
0x0: {  	(tag) =	ssettag $0x1  }
0x1: {  	s5 =	rddreg [dreg:$0x0]  }
0x2: {  	s0 =	rddreg [dreg:$0x1]  }
0x3: {  	s3 =	srdreg.scid;
	s1 =	stileid.u32;
	s2 =	simm.s32 $0x0  }
0x4: {  	s10 =	simm.s32 $0x1;
	s11 =	simm.s32 $0x200;
	s12 =	simm.s32 $0x4000  }
0x5: {  	s13 =	simm.s32 $0x8000;
	s4 =	sand.u32 $0x1, s3;
	s31 =	sshll.u32 s1, $0x1  }
0x6: {  	s14 =	simm.s32 $0x0;
	[smem:$0x7FF] =	sst s2;
	s6 =	sor.u32 s4, s31  }
0x7: {  	_ =	strace $0x80000047;
	s8 =	ssub.s32 $0x2, s4;
	s4 =	sadd.s32 $0xA00, s5  }
0x8: {  	s3 =	sshll.u32 s6, $0xC;
	s6 =	sshll.u32 s6, $0x6;
	s9 =	sshrl.u32 s8, $0x1  }
0x9: {  	s7 =	sadd.s32 s3, s5;
	s3 =	sadd.s32 $0x3D1400, s5;
	s6 =	sadd.s32 s6, s5  }
0xa: {  	s8 =	ssub.s32 s8, s9;
	s9 =	simm.s32 $0x80;
	s5 =	sadd.s32 $0x7A2000, s7  }
0xb: {  	s6 =	sadd.s32 $0x7C2000, s6;
	s7 =	smax.u32 s8, $0x1;
	s8 =	simm.s32 $0x2  }
.LBB2_1:
0xc: {  	[tilespmem:s2], [sflag:$0x2] =	stream.linear.gather [hbm4b:s5+s2], $0x8000, $0x38;
	[tilespmem:$0x10000] =	vst v63  }
0xd: {  	_ =	swait.ge [sflag:s8], $0x8000  }
0xe: {  	s15 =	simm.s32 $0x0;
	s16 =	simm.s32 $0x8000;
	[sflag:s8] =	ssyncset.done $0x0  }
0xf: {  	s28 =	simm.s32 $0x8080;
	s29 =	simm.s32 $0x80;
	[sflag:s8] =	ssyncadd.s32 $0xFFFF8000  }
0x10: {  	[tilespmem:s16], [sflag:$0x1] =	stream.indirect.gather [hbm4b:s3+s9], $0x1, s15, s9, $0xb8;
	[tilespmem:$0x10000] =	vst v63  }
0x11: {  	s30 =	simm.s32 $0x8100;
	s31 =	simm.s32 $0x100;
	s17 =	simm.s32 $0x8180  }
0x12: {  	[tilespmem:s28], [sflag:$0x1] =	stream.indirect.gather [hbm4b:s3+s9], $0x1, s29, s9, $0xb8;
	[tilespmem:$0x10000] =	vst v63  }
0x13: {  	s18 =	simm.s32 $0x180;
	s15 =	simm.s32 $0x200;
	s16 =	simm.s32 $0x1000  }
0x14: {  	[tilespmem:s30], [sflag:$0x1] =	stream.indirect.gather [hbm4b:s3+s9], $0x1, s31, s9, $0xb8;
	[tilespmem:$0x10000] =	vst v63  }
.LBB2_2:
0x15: {  	[tilespmem:s17], [sflag:$0x1] =	stream.indirect.gather [hbm4b:s3+s9], $0x1, s18, s9, $0xb8;
	[tilespmem:$0x10000] =	vst v63  }
0x16: {  	s17 =	smov.u32 s16;
	s20 =	sadd.s32 $0x800, s16  }
0x17: {  	p0 =	sne.s32 s16, $0xF800;
	s19 =	sshra.s32 s17, $0x2;
	s17 =	sadd.s32 $0x8000, s15  }
0x18: {  	[tilespmem:s17], [sflag:$0x1] =	stream.indirect.gather [hbm4b:s3+s9], $0x1, s15, s9, $0xb8;
	[tilespmem:$0x10000] =	vst v63  }
.Ltmp0:
0x19: {  	s18 =	sadd.s32 $0x80, s15;
	s17 =	sadd.s32 $0x8080, s15;
	(pc) =	sbr.rel @p0 .LBB2_2-.Ltmp0, $4  }
0x1a: {  	[tilespmem:s17], [sflag:$0x1] =	stream.indirect.gather [hbm4b:s3+s9], $0x1, s18, s9, $0xb8;
	[tilespmem:$0x10000] =	vst v63  }
0x1b: {  	s16 =	sadd.s32 $0x8100, s15;
	s17 =	sadd.s32 $0x100, s15;
	s18 =	sadd.s32 $0x180, s15  }
0x1c: {  	[tilespmem:s16], [sflag:$0x1] =	stream.indirect.gather [hbm4b:s3+s9], $0x1, s17, s9, $0xb8;
	[tilespmem:$0x10000] =	vst v63  }
0x1d: {  	s17 =	sadd.s32 $0x8180, s15;
	s15 =	smov.u32 s19;
	s16 =	smov.u32 s20  }
0x1e: {  	[tilespmem:s17], [sflag:$0x1] =	stream.indirect.gather [hbm4b:s3+s9], $0x1, s18, s9, $0xb8;
	[tilespmem:$0x10000] =	vst v63  }
0x1f: {  	s16 =	sadd.s32 $0x8000, s15  }
0x20: {  	[tilespmem:s16], [sflag:$0x1] =	stream.indirect.gather [hbm4b:s3+s9], $0x1, s15, s9, $0xb8;
	[tilespmem:$0x10000] =	vst v63  }
0x21: {  	s19 =	sadd.s32 $0x8080, s15;
	s20 =	sadd.s32 $0x80, s15  }
0x22: {  	[tilespmem:s19], [sflag:$0x1] =	stream.indirect.gather [hbm4b:s3+s9], $0x1, s20, s9, $0xb8;
	[tilespmem:$0x10000] =	vst v63  }
0x23: {  	s21 =	sadd.s32 $0x8100, s15;
	s22 =	sadd.s32 $0x100, s15  }
0x24: {  	[tilespmem:s21], [sflag:$0x1] =	stream.indirect.gather [hbm4b:s3+s9], $0x1, s22, s9, $0xb8;
	[tilespmem:$0x10000] =	vst v63  }
0x25: {  	s23 =	sadd.s32 $0x8180, s15;
	s24 =	sadd.s32 $0x180, s15;
	s25 =	simm.s32 $0xC000  }
0x26: {  	[tilespmem:s23], [sflag:$0x1] =	stream.indirect.gather [hbm4b:s3+s9], $0x1, s24, s9, $0xb8;
	[tilespmem:$0x10000] =	vst v63  }
0x27: {  	s26 =	simm.s32 $0x4000;
	s28 =	simm.s32 $0xC080;
	s29 =	simm.s32 $0x4080  }
0x28: {  	[tilespmem:s25], [sflag:$0x1] =	stream.indirect.gather [hbm4b:s4+s9], $0x1, s26, s9, $0xb8;
	[tilespmem:$0x10000] =	vst v63  }
0x29: {  	s30 =	simm.s32 $0xC100;
	s31 =	simm.s32 $0x4100;
	s17 =	simm.s32 $0xC180  }
0x2a: {  	[tilespmem:s28], [sflag:$0x1] =	stream.indirect.gather [hbm4b:s4+s9], $0x1, s29, s9, $0xb8;
	[tilespmem:$0x10000] =	vst v63  }
0x2b: {  	s18 =	simm.s32 $0x4180;
	s15 =	simm.s32 $0x200;
	s16 =	simm.s32 $0x1000  }
0x2c: {  	[tilespmem:s30], [sflag:$0x1] =	stream.indirect.gather [hbm4b:s4+s9], $0x1, s31, s9, $0xb8;
	[tilespmem:$0x10000] =	vst v63  }
.LBB2_4:
0x2d: {  	[tilespmem:s17], [sflag:$0x1] =	stream.indirect.gather [hbm4b:s4+s9], $0x1, s18, s9, $0xb8;
	[tilespmem:$0x10000] =	vst v63  }
0x2e: {  	s18 =	smov.u32 s15;
	s15 =	smov.u32 s16;
	p0 =	sne.s32 s16, $0xF800  }
0x2f: {  	s15 =	sshra.s32 s16, $0x2;
	s17 =	sadd.s32 $0xC000, s18;
	s19 =	sadd.s32 $0x4000, s18  }
0x30: {  	[tilespmem:s17], [sflag:$0x1] =	stream.indirect.gather [hbm4b:s4+s9], $0x1, s19, s9, $0xb8;
	[tilespmem:$0x10000] =	vst v63  }
.Ltmp1:
0x31: {  	s17 =	sadd.s32 $0xC080, s18;
	s19 =	sadd.s32 $0x4080, s18;
	(pc) =	sbr.rel @p0 .LBB2_4-.Ltmp1, $4  }
0x32: {  	[tilespmem:s17], [sflag:$0x1] =	stream.indirect.gather [hbm4b:s4+s9], $0x1, s19, s9, $0xb8;
	[tilespmem:$0x10000] =	vst v63  }
0x33: {  	s20 =	sadd.s32 $0x4100, s18;
	s19 =	sadd.s32 $0x800, s16;
	s17 =	sadd.s32 $0xC100, s18  }
0x34: {  	[tilespmem:s17], [sflag:$0x1] =	stream.indirect.gather [hbm4b:s4+s9], $0x1, s20, s9, $0xb8;
	[tilespmem:$0x10000] =	vst v63  }
0x35: {  	s16 =	smov.u32 s19;
	s17 =	sadd.s32 $0xC180, s18;
	s18 =	sadd.s32 $0x4180, s18  }
0x36: {  	[tilespmem:s17], [sflag:$0x1] =	stream.indirect.gather [hbm4b:s4+s9], $0x1, s18, s9, $0xb8;
	[tilespmem:$0x10000] =	vst v63  }
0x37: {  	s16 =	sadd.s32 $0xC000, s15;
	s24 =	sadd.s32 $0x4000, s15  }
0x38: {  	[tilespmem:s16], [sflag:$0x1] =	stream.indirect.gather [hbm4b:s4+s9], $0x1, s24, s9, $0xb8;
	[tilespmem:$0x10000] =	vst v63  }
0x39: {  	s25 =	sadd.s32 $0xC080, s15;
	s26 =	sadd.s32 $0x4080, s15  }
0x3a: {  	[tilespmem:s25], [sflag:$0x1] =	stream.indirect.gather [hbm4b:s4+s9], $0x1, s26, s9, $0xb8;
	[tilespmem:$0x10000] =	vst v63  }
0x3b: {  	s28 =	sadd.s32 $0xC100, s15;
	s29 =	sadd.s32 $0x4100, s15  }
0x3c: {  	[tilespmem:s28], [sflag:$0x1] =	stream.indirect.gather [hbm4b:s4+s9], $0x1, s29, s9, $0xb8;
	[tilespmem:$0x10000] =	vst v63  }
0x3d: {  	s30 =	sadd.s32 $0xC180, s15;
	s31 =	sadd.s32 $0x4180, s15  }
0x3e: {  	[tilespmem:s30], [sflag:$0x1] =	stream.indirect.gather [hbm4b:s4+s9], $0x1, s31, s9, $0xb8;
	[tilespmem:$0x10000] =	vst v63  }
0x3f: {  	s14 =	sadd.s32 $0x1, s14;
	_ =	swait.ge [sflag:s10], $0x8000  }
0x40: {  	p0 =	sne.s32 s14, s7;
	[sflag:s10] =	ssyncset.done $0x0  }
.Ltmp2:
0x41: {  	[sflag:s10] =	ssyncadd.s32 $0xFFFF8000;
	(pc) =	sbr.rel @p0 .LBB2_1-.Ltmp2, $4  }
0x42: {  	[hbm4b:s6+s11] =	stream.strided.scatter [tilespmem:s13], [sflag:$0x2], $0x8000, s12, s11, $0x38;
	[tilespmem:$0x10000] =	vst v63  }
0x43: {  	_ =	swait.ge [sflag:s8], $0x8000  }
0x44: {  	[sflag:s8] =	ssyncset.done $0x0  }
0x45: {  	[sflag:s8] =	ssyncadd.s32 $0xFFFF8000  }
0x46: {  	_ =	sfence.sel $0x180000  }
0x47: {  	[bflag:$0x0] =	sbarrier.arrive $0xFFFF  }
0x48: {  	p0 =	sne.s32 s1, $0x0;
	_ =	strace $0x90000047  }
0x49: {  	s0 =	sadd.s32 @!p0 $0x100000, s0;
	[bflag:$0x2] =	sbarrier.arrive $0xFFFF  }
0x4a: {  	[sflag:s0] =	ssyncadd.tile.s32 @!p0 $0x1;
	_ =	shalt  }
.Lfunc_end2:
_tile_overlayer_lowered:
.L_overlay_start_2:
0x4b: {  	(tag) =	ssettag $0x2  }
0x4c: {  	s0 =	rddreg [dreg:$0x0];
	s2 =	stileid.u32  }
0x4d: {  	s1 =	rddreg [dreg:$0x1];
	p0 =	sne.s32 s2, $0x0  }
0x4e: {  	s3 =	rddreg [dreg:$0x2];
	[bflag:$0x3] =	sbarrier.arrive $0xFFFF;
	s2 =	simm.s32 @!p0 $0x1C02  }
0x4f: {  	[timem:s3], [sflag:s2] =	dma.local @!p0 [hbm:s0], s1  }
0x50: {  	s0 =	simm.s32 @!p0 $0x2  }
0x51: {  	_ =	swait.ge @!p0 [sflag:s0], s1  }
0x52: {  	s1 =	ssub.s32 @!p0 $0x0, s1;
	[sflag:s0] =	ssyncset.done @!p0 $0x0  }
0x53: {  	[sflag:s0] =	ssyncadd.s32 @!p0 s1  }
0x54: {  	[bflag:$0x3] =	sbarrier.arrive $0xFFFF  }
0x55: {  	_ =	shalt  }

</sc_bundles>
